<compile_context>
chip_gen: v7x
topology: tpu7x:2x2x1
jax: 0.10.2.dev20260603
libtpu: 0.0.44.dev20260713+nightly
codegen_flags: <defaults>
</compile_context>

<pallas_src>
import functools

import jax
import jax.numpy as jnp
from jax import lax
from jax.experimental import pallas as pl
from jax.experimental.pallas import tpu as pltpu
from jax.experimental.pallas import tpu_sc as plsc

B, T, V, D = 16384, 100, 1000000, 32
L = 16
NC, NS = 2, 16
NW = NC * NS
ROWS_PER_W = B // NW
CHUNK = 128
ACC_W = 5 * L


def _sc_accumulate(x, emb, wf):
    mesh = plsc.VectorSubcoreMesh(core_axis_name="c", subcore_axis_name="s")

    @functools.partial(
        pl.kernel,
        mesh=mesh,
        compiler_params=pltpu.CompilerParams(use_tc_tiling_on_sc=False),
        out_type=jax.ShapeDtypeStruct((B, ACC_W), jnp.float32),
        scratch_types=[
            pltpu.VMEM((CHUNK, T), jnp.int32),
            pltpu.VMEM((T, D), jnp.float32),
            pltpu.VMEM((T, D), jnp.float32),
            pltpu.VMEM((T, D), jnp.float32),
            pltpu.VMEM((CHUNK, ACC_W), jnp.float32),
            pltpu.SemaphoreType.DMA,
            pltpu.SemaphoreType.DMA,
        ],
    )
    def k(x_hbm, emb_hbm, wf_hbm, out_hbm, idx_v, wf_v, buf0, buf1, out_v,
          sem0, sem1):
        wid = lax.axis_index("s") * NC + lax.axis_index("c")
        base = wid * ROWS_PER_W
        pltpu.sync_copy(wf_hbm, wf_v)

        def compute_row(buf, row):
            def t_body(t, carry):
                s0, s1, q0, q1, r0, r1 = carry
                e0 = buf[t, pl.ds(0, L)]
                e1 = buf[t, pl.ds(L, L)]
                w0 = wf_v[t, pl.ds(0, L)]
                w1 = wf_v[t, pl.ds(L, L)]
                return (s0 + e0, s1 + e1,
                        q0 + e0 * e0, q1 + e1 * e1,
                        r0 + e0 * w0, r1 + e1 * w1)

            z = jnp.zeros((L,), jnp.float32)
            s0, s1, q0, q1, r0, r1 = lax.fori_loop(
                0, T, t_body, (z, z, z, z, z, z))
            out_v[row, pl.ds(0, L)] = s0
            out_v[row, pl.ds(L, L)] = s1
            out_v[row, pl.ds(2 * L, L)] = q0
            out_v[row, pl.ds(3 * L, L)] = q1
            out_v[row, pl.ds(4 * L, L)] = r0 + r1

        def chunk_body(c, _):
            rbase = base + c * CHUNK
            pltpu.sync_copy(x_hbm.at[pl.ds(rbase, CHUNK)], idx_v)
            pltpu.async_copy(emb_hbm.at[idx_v.at[0]], buf0, sem0)

            def pair_body(g, _):
                ra = 2 * g
                rb = ra + 1
                pltpu.async_copy(emb_hbm.at[idx_v.at[rb]], buf1, sem1)
                pltpu.make_async_copy(
                    emb_hbm.at[idx_v.at[ra]], buf0, sem0).wait()
                compute_row(buf0, ra)

                @pl.when(ra + 2 < CHUNK)
                def _():
                    pltpu.async_copy(
                        emb_hbm.at[idx_v.at[ra + 2]], buf0, sem0)

                pltpu.make_async_copy(
                    emb_hbm.at[idx_v.at[rb]], buf1, sem1).wait()
                compute_row(buf1, rb)
                return 0

            lax.fori_loop(0, CHUNK // 2, pair_body, 0)
            pltpu.sync_copy(out_v, out_hbm.at[pl.ds(rbase, CHUNK)])
            return 0

        lax.fori_loop(0, ROWS_PER_W // CHUNK, chunk_body, 0)

    return k(x, emb, wf)


BLK = 2048


def _mlp(acc, W1, b1, W2, b2, wh, bf):
    def mk(acc_ref, w1_ref, b1_ref, w2_ref, b2_ref, wh_ref, bf_ref, o_ref):
        a = acc_ref[...]
        s = a[:, :D]
        q = a[:, D:2 * D]
        rv = a[:, 2 * D:]
        h = 0.5 * (s * s - q)
        h1 = jnp.maximum(
            jnp.dot(h, w1_ref[...], preferred_element_type=jnp.float32)
            + b1_ref[...], 0.0)
        h2 = jnp.maximum(
            jnp.dot(h1, w2_ref[...], preferred_element_type=jnp.float32)
            + b2_ref[...], 0.0)
        r = jnp.sum(rv, axis=1, keepdims=True)
        logit = (jnp.sum(h2 * wh_ref[...], axis=1, keepdims=True)
                 + r + bf_ref[...])
        o_ref[...] = 1.0 / (1.0 + jnp.exp(-logit))

    return pl.pallas_call(
        mk,
        grid=(B // BLK,),
        in_specs=[
            pl.BlockSpec((BLK, ACC_W), lambda i: (i, 0)),
            pl.BlockSpec((D, D // 2), lambda i: (0, 0)),
            pl.BlockSpec((1, D // 2), lambda i: (0, 0)),
            pl.BlockSpec((D // 2, D // 4), lambda i: (0, 0)),
            pl.BlockSpec((1, D // 4), lambda i: (0, 0)),
            pl.BlockSpec((1, D // 4), lambda i: (0, 0)),
            pl.BlockSpec((1, 1), lambda i: (0, 0)),
        ],
        out_specs=pl.BlockSpec((BLK, 1), lambda i: (i, 0)),
        out_shape=jax.ShapeDtypeStruct((B, 1), jnp.float32),
    )(acc, W1, b1.reshape(1, -1), W2, b2.reshape(1, -1), wh,
      bf.reshape(1, 1))


def kernel(x, Emb, W1, b1, W2, b2, Wf, bf):
    xi = x.astype(jnp.int32)
    wf_tok = Wf[D // 4:, 0].reshape(T, D)
    wh = Wf[:D // 4, 0].reshape(1, D // 4)
    acc = _sc_accumulate(xi, Emb, wf_tok)
    return _mlp(acc, W1, b1, W2, b2, wh, bf)

# --- scband reference (transcript-rebuilt; emitter-appended) ---
"""Pipeline reference for scband-nfm-15487652069573 (READ-ONLY COPY).

The authoritative reference and input builder live on the scoring server;
editing this copy changes nothing except your own understanding.
"""

import jax, jax.numpy as jnp
import numpy as np

B, T, V, D = 16384, 100, 1000000, 32

def setup_inputs(seed: int = 0) -> dict:
    key = jax.random.key(seed)
    ks = jax.random.split(key, 8)
    x = jax.random.randint(ks[0], (B, T), 0, V)
    Emb = jax.random.normal(ks[1], (V, D), dtype=jnp.float32) * 0.01
    W1 = jax.random.normal(ks[2], (D, D // 2), dtype=jnp.float32) * 0.1
    b1 = jnp.zeros((D // 2,), dtype=jnp.float32)
    W2 = jax.random.normal(ks[3], (D // 2, D // 4), dtype=jnp.float32) * 0.1
    b2 = jnp.zeros((D // 4,), dtype=jnp.float32)
    Wf = jax.random.normal(ks[4], (D // 4 + T * D, 1), dtype=jnp.float32) * 0.02
    bf = jnp.zeros((1,), dtype=jnp.float32)
    return {"x": x, "Emb": Emb, "W1": W1, "b1": b1, "W2": W2, "b2": b2, "Wf": Wf, "bf": bf}

def _bip(z):
    sum_square = jnp.sum(z, axis=1) ** 2
    square_sum = jnp.sum(z ** 2, axis=1)
    return (sum_square - square_sum) / 2.0

def reference(x, Emb, W1, b1, W2, b2, Wf, bf):
    x_emb = jnp.take(Emb, x, axis=0)  # [B, T, D] embedding gather
    h = _bip(x_emb)                   # [B, D] bi-interaction pooling
    h = jax.nn.relu(h @ W1 + b1)
    h = jax.nn.relu(h @ W2 + b2)
    bs, ts, f = x_emb.shape
    h = jnp.concatenate([h, x_emb.reshape(bs, ts * f)], axis=1)
    out = jax.nn.sigmoid(h @ Wf + bf)
    return out

if __name__ == "__main__":
    import jax
    _d = setup_inputs()
    print(jax.jit(kernel)(*tuple(_d.values())))

</pallas_src>

<mosaic_0001>
#map = affine_map<(d0, d1) -> (0, 0)>
module attributes {stable_mosaic.version = 14 : i64} {
  func.func @k(%arg0: i32, %arg1: i32, %arg2: memref<16384x100xi32, #tpu.memory_space<hbm>>, %arg3: memref<1000000x32xf32, #tpu.memory_space<hbm>>, %arg4: memref<100x32xf32, #tpu.memory_space<hbm>>, %arg5: memref<16384x80xf32, #tpu.memory_space<hbm>>, %arg6: memref<128x100xi32, #tpu.memory_space<vmem>>, %arg7: memref<100x32xf32, #tpu.memory_space<vmem>>, %arg8: memref<100x32xf32, #tpu.memory_space<vmem>>, %arg9: memref<100x32xf32, #tpu.memory_space<vmem>>, %arg10: memref<128x80xf32, #tpu.memory_space<vmem>>, %arg11: memref<!tpu.dma_semaphore, #tpu.memory_space<semaphore_mem>>, %arg12: memref<!tpu.dma_semaphore, #tpu.memory_space<semaphore_mem>>) attributes {dimension_semantics = [#tpu.dimension_semantics<core_parallel>, #tpu.dimension_semantics<subcore_parallel>], iteration_bounds = array<i64: 2, 16>, scalar_prefetch = 0 : i64, scratch_operands = 7 : i64, tpu.core_type = #tpu.core_type<sc_vector_subcore>, window_params = [{transform_indices = #map}, {transform_indices = #map}, {transform_indices = #map}, {transform_indices = #map}]} {
    %mul3A = arith.constant 2 : i32
    %mul3A_0 = arith.muli %arg1, %mul3A : i32
    %add3A = arith.addi %mul3A_0, %arg0 : i32
    %mul3A_1 = arith.constant 512 : i32
    %mul3A_2 = arith.muli %add3A, %mul3A_1 : i32
    "tpu.region"() ({
      %run_scoped3A = tpu.sem_alloc : memref<!tpu.dma_semaphore, #tpu.memory_space<semaphore_mem>>
      tpu.enqueue_dma source(%arg4 : memref<100x32xf32, #tpu.memory_space<hbm>>) target(%arg7 : memref<100x32xf32, #tpu.memory_space<vmem>>) target_semaphore(%run_scoped3A : memref<!tpu.dma_semaphore, #tpu.memory_space<semaphore_mem>>)
      tpu.wait_dma2 semaphore(%run_scoped3A : memref<!tpu.dma_semaphore, #tpu.memory_space<semaphore_mem>>) src(%arg4 : memref<100x32xf32, #tpu.memory_space<hbm>>) dst(%arg7 : memref<100x32xf32, #tpu.memory_space<vmem>>)
      tpu.yield
    }) : () -> ()
    %scan3A = arith.constant 0 : i32
    %scan3A_3 = arith.constant 0 : i32
    %scan3A_4 = arith.constant 4 : i32
    %scan3A_5 = arith.addi %scan3A_3, %scan3A_4 : i32
    %scan3A_6 = arith.constant 1 : i32
    %scan3A_7 = scf.for %scan3A_9 = %scan3A_3 to %scan3A_5 step %scan3A_6 iter_args(%scan3A_10 = %scan3A) -> (i32)  : i32 {
      %mul3A_11 = arith.constant 128 : i32
      %mul3A_12 = arith.muli %scan3A_9, %mul3A_11 : i32
      %add3A_13 = arith.addi %mul3A_2, %mul3A_12 : i32
      "tpu.region"() ({
        %run_scoped3A = tpu.sem_alloc : memref<!tpu.dma_semaphore, #tpu.memory_space<semaphore_mem>>
        %dma_start3A_28 = arith.constant 0 : i32
        %dma_start3A_29 = tpu.memref_slice %arg2[%add3A_13, %dma_start3A_28] : memref<16384x100xi32, #tpu.memory_space<hbm>> -> memref<128x100xi32, #tpu.memory_space<hbm>>
        %dma_start3A_30 = arith.constant 0 : i32
        %dma_start3A_31 = tpu.memref_slice %arg2[%add3A_13, %dma_start3A_30] : memref<16384x100xi32, #tpu.memory_space<hbm>> -> memref<128x100xi32, #tpu.memory_space<hbm>>
        tpu.enqueue_dma source(%dma_start3A_31 : memref<128x100xi32, #tpu.memory_space<hbm>>) target(%arg6 : memref<128x100xi32, #tpu.memory_space<vmem>>) target_semaphore(%run_scoped3A : memref<!tpu.dma_semaphore, #tpu.memory_space<semaphore_mem>>)
        %dma_wait3A = arith.constant 0 : i32
        %dma_wait3A_32 = tpu.memref_slice %arg2[%add3A_13, %dma_wait3A] : memref<16384x100xi32, #tpu.memory_space<hbm>> -> memref<128x100xi32, #tpu.memory_space<hbm>>
        %dma_wait3A_33 = arith.constant 0 : i32
        %dma_wait3A_34 = tpu.memref_slice %arg2[%add3A_13, %dma_wait3A_33] : memref<16384x100xi32, #tpu.memory_space<hbm>> -> memref<128x100xi32, #tpu.memory_space<hbm>>
        tpu.wait_dma2 semaphore(%run_scoped3A : memref<!tpu.dma_semaphore, #tpu.memory_space<semaphore_mem>>) src(%dma_wait3A_34 : memref<128x100xi32, #tpu.memory_space<hbm>>) dst(%arg6 : memref<128x100xi32, #tpu.memory_space<vmem>>)
        tpu.yield
      }) : () -> ()
      %dma_start3A = arith.constant 0 : i32
      %dma_start3A_14 = arith.constant 0 : i32
      %dma_start3A_15 = tpu.memref_slice %arg6[%dma_start3A, %dma_start3A_14] : memref<128x100xi32, #tpu.memory_space<vmem>> -> memref<1x100xi32, #tpu.memory_space<vmem>>
      %dma_start3A_16 = tpu.memref_squeeze %dma_start3A_15 : memref<1x100xi32, #tpu.memory_space<vmem>> -> memref<100xi32, #tpu.memory_space<vmem>>
      %dma_start3A_17 = arith.constant 0 : i32
      %dma_start3A_18 = arith.constant 0 : i32
      %dma_start3A_19 = tpu.memref_slice %arg3[%dma_start3A_17, %dma_start3A_18] : memref<1000000x32xf32, #tpu.memory_space<hbm>> -> memref<1000000x32xf32, #tpu.memory_space<hbm>>
      tpu.enqueue_indirect_dma source(%dma_start3A_19 : memref<1000000x32xf32, #tpu.memory_space<hbm>>) target(%arg8 : memref<100x32xf32, #tpu.memory_space<vmem>>) offsets(%dma_start3A_16 : memref<100xi32, #tpu.memory_space<vmem>>) semaphore(%arg11 : memref<!tpu.dma_semaphore, #tpu.memory_space<semaphore_mem>>)
      %scan3A_20 = arith.constant 0 : i32
      %scan3A_21 = arith.constant 0 : i32
      %scan3A_22 = arith.constant 64 : i32
      %scan3A_23 = arith.addi %scan3A_21, %scan3A_22 : i32
      %scan3A_24 = arith.constant 1 : i32
      %scan3A_25 = scf.for %scan3A_28 = %scan3A_21 to %scan3A_23 step %scan3A_24 iter_args(%scan3A_29 = %scan3A_20) -> (i32)  : i32 {
        %mul3A_30 = arith.constant 2 : i32
        %mul3A_31 = arith.muli %mul3A_30, %scan3A_28 : i32
        %add3A_32 = arith.constant 1 : i32
        %add3A_33 = arith.addi %mul3A_31, %add3A_32 : i32
        %dma_start3A_34 = arith.constant 0 : i32
        %dma_start3A_35 = tpu.memref_slice %arg6[%add3A_33, %dma_start3A_34] : memref<128x100xi32, #tpu.memory_space<vmem>> -> memref<1x100xi32, #tpu.memory_space<vmem>>
        %dma_start3A_36 = tpu.memref_squeeze %dma_start3A_35 : memref<1x100xi32, #tpu.memory_space<vmem>> -> memref<100xi32, #tpu.memory_space<vmem>>
        %dma_start3A_37 = arith.constant 0 : i32
        %dma_start3A_38 = arith.constant 0 : i32
        %dma_start3A_39 = tpu.memref_slice %arg3[%dma_start3A_37, %dma_start3A_38] : memref<1000000x32xf32, #tpu.memory_space<hbm>> -> memref<1000000x32xf32, #tpu.memory_space<hbm>>
        tpu.enqueue_indirect_dma source(%dma_start3A_39 : memref<1000000x32xf32, #tpu.memory_space<hbm>>) target(%arg9 : memref<100x32xf32, #tpu.memory_space<vmem>>) offsets(%dma_start3A_36 : memref<100xi32, #tpu.memory_space<vmem>>) semaphore(%arg12 : memref<!tpu.dma_semaphore, #tpu.memory_space<semaphore_mem>>)
        %dma_wait3A = arith.constant 0 : i32
        %dma_wait3A_40 = tpu.memref_slice %arg6[%mul3A_31, %dma_wait3A] : memref<128x100xi32, #tpu.memory_space<vmem>> -> memref<1x100xi32, #tpu.memory_space<vmem>>
        %dma_wait3A_41 = tpu.memref_squeeze %dma_wait3A_40 : memref<1x100xi32, #tpu.memory_space<vmem>> -> memref<100xi32, #tpu.memory_space<vmem>>
        %dma_wait3A_42 = arith.constant 0 : i32
        %dma_wait3A_43 = arith.constant 0 : i32
        %dma_wait3A_44 = tpu.memref_slice %arg3[%dma_wait3A_42, %dma_wait3A_43] : memref<1000000x32xf32, #tpu.memory_space<hbm>> -> memref<1000000x32xf32, #tpu.memory_space<hbm>>
        tpu.wait_indirect_dma semaphore(%arg11 : memref<!tpu.dma_semaphore, #tpu.memory_space<semaphore_mem>>) src(%dma_wait3A_44 : memref<1000000x32xf32, #tpu.memory_space<hbm>>) dst(%arg8 : memref<100x32xf32, #tpu.memory_space<vmem>>)
        %broadcast_in_dim3A = arith.constant 0.000000e+00 : f32
        %broadcast_in_dim3A_45 = vector.broadcast %broadcast_in_dim3A : f32 to vector<16xf32>
        %scan3A_46 = arith.constant 0 : i32
        %scan3A_47 = arith.constant 100 : i32
        %scan3A_48 = arith.addi %scan3A_46, %scan3A_47 : i32
        %scan3A_49 = arith.constant 1 : i32
        %scan3A_50:6 = scf.for %scan3A_122 = %scan3A_46 to %scan3A_48 step %scan3A_49 iter_args(%scan3A_123 = %broadcast_in_dim3A_45, %scan3A_124 = %broadcast_in_dim3A_45, %scan3A_125 = %broadcast_in_dim3A_45, %scan3A_126 = %broadcast_in_dim3A_45, %scan3A_127 = %broadcast_in_dim3A_45, %scan3A_128 = %broadcast_in_dim3A_45) -> (vector<16xf32>, vector<16xf32>, vector<16xf32>, vector<16xf32>, vector<16xf32>, vector<16xf32>)  : i32 {
          %get3A = arith.index_cast %scan3A_122 : i32 to index
          %get3A_129 = arith.constant 0 : index
          %get3A_130 = tpu.vector_load %arg8[%get3A, %get3A_129] {strides = array<i32>} : memref<100x32xf32, #tpu.memory_space<vmem>>, vector<1x16xf32>,
          %get3A_131 = vector.shape_cast %get3A_130 : vector<1x16xf32> to vector<16xf32>
          %get3A_132 = arith.index_cast %scan3A_122 : i32 to index
          %get3A_133 = arith.constant 16 : index
          %get3A_134 = tpu.vector_load %arg8[%get3A_132, %get3A_133] {strides = array<i32>} : memref<100x32xf32, #tpu.memory_space<vmem>>, vector<1x16xf32>,
          %get3A_135 = vector.shape_cast %get3A_134 : vector<1x16xf32> to vector<16xf32>
          %get3A_136 = arith.index_cast %scan3A_122 : i32 to index
          %get3A_137 = arith.constant 0 : index
          %get3A_138 = tpu.vector_load %arg7[%get3A_136, %get3A_137] {strides = array<i32>} : memref<100x32xf32, #tpu.memory_space<vmem>>, vector<1x16xf32>,
          %get3A_139 = vector.shape_cast %get3A_138 : vector<1x16xf32> to vector<16xf32>
          %get3A_140 = arith.index_cast %scan3A_122 : i32 to index
          %get3A_141 = arith.constant 16 : index
          %get3A_142 = tpu.vector_load %arg7[%get3A_140, %get3A_141] {strides = array<i32>} : memref<100x32xf32, #tpu.memory_space<vmem>>, vector<1x16xf32>,
          %get3A_143 = vector.shape_cast %get3A_142 : vector<1x16xf32> to vector<16xf32>
          %add3A_144 = arith.addf %scan3A_123, %get3A_131 : vector<16xf32>
          %add3A_145 = arith.addf %scan3A_124, %get3A_135 : vector<16xf32>
          %mul3A_146 = arith.mulf %get3A_131, %get3A_131 : vector<16xf32>
          %add3A_147 = arith.addf %scan3A_125, %mul3A_146 : vector<16xf32>
          %mul3A_148 = arith.mulf %get3A_135, %get3A_135 : vector<16xf32>
          %add3A_149 = arith.addf %scan3A_126, %mul3A_148 : vector<16xf32>
          %mul3A_150 = arith.mulf %get3A_131, %get3A_139 : vector<16xf32>
          %add3A_151 = arith.addf %scan3A_127, %mul3A_150 : vector<16xf32>
          %mul3A_152 = arith.mulf %get3A_135, %get3A_143 : vector<16xf32>
          %add3A_153 = arith.addf %scan3A_128, %mul3A_152 : vector<16xf32>
          scf.yield %add3A_144, %add3A_145, %add3A_147, %add3A_149, %add3A_151, %add3A_153 : vector<16xf32>, vector<16xf32>, vector<16xf32>, vector<16xf32>, vector<16xf32>, vector<16xf32>
        }
        %scan3A_51 = arith.constant 100 : i32
        %swap3A = arith.index_cast %mul3A_31 : i32 to index
        %swap3A_52 = arith.constant 0 : index
        %swap3A_53 = tpu.vector_load %arg10[%swap3A, %swap3A_52] {strides = array<i32>} : memref<128x80xf32, #tpu.memory_space<vmem>>, vector<1x16xf32>,
        %swap3A_54 = vector.shape_cast %swap3A_53 : vector<1x16xf32> to vector<16xf32>
        %swap3A_55 = vector.shape_cast %scan3A_50#0 : vector<16xf32> to vector<1x16xf32>
        tpu.vector_store %arg10[%swap3A, %swap3A_52], %swap3A_55 {strides = array<i32>} : memref<128x80xf32, #tpu.memory_space<vmem>>, vector<1x16xf32>,
        %swap3A_56 = arith.index_cast %mul3A_31 : i32 to index
        %swap3A_57 = arith.constant 16 : index
        %swap3A_58 = tpu.vector_load %arg10[%swap3A_56, %swap3A_57] {strides = array<i32>} : memref<128x80xf32, #tpu.memory_space<vmem>>, vector<1x16xf32>,
        %swap3A_59 = vector.shape_cast %swap3A_58 : vector<1x16xf32> to vector<16xf32>
        %swap3A_60 = vector.shape_cast %scan3A_50#1 : vector<16xf32> to vector<1x16xf32>
        tpu.vector_store %arg10[%swap3A_56, %swap3A_57], %swap3A_60 {strides = array<i32>} : memref<128x80xf32, #tpu.memory_space<vmem>>, vector<1x16xf32>,
        %swap3A_61 = arith.index_cast %mul3A_31 : i32 to index
        %swap3A_62 = arith.constant 32 : index
        %swap3A_63 = tpu.vector_load %arg10[%swap3A_61, %swap3A_62] {strides = array<i32>} : memref<128x80xf32, #tpu.memory_space<vmem>>, vector<1x16xf32>,
        %swap3A_64 = vector.shape_cast %swap3A_63 : vector<1x16xf32> to vector<16xf32>
        %swap3A_65 = vector.shape_cast %scan3A_50#2 : vector<16xf32> to vector<1x16xf32>
        tpu.vector_store %arg10[%swap3A_61, %swap3A_62], %swap3A_65 {strides = array<i32>} : memref<128x80xf32, #tpu.memory_space<vmem>>, vector<1x16xf32>,
        %swap3A_66 = arith.index_cast %mul3A_31 : i32 to index
        %swap3A_67 = arith.constant 48 : index
        %swap3A_68 = tpu.vector_load %arg10[%swap3A_66, %swap3A_67] {strides = array<i32>} : memref<128x80xf32, #tpu.memory_space<vmem>>, vector<1x16xf32>,
        %swap3A_69 = vector.shape_cast %swap3A_68 : vector<1x16xf32> to vector<16xf32>
        %swap3A_70 = vector.shape_cast %scan3A_50#3 : vector<16xf32> to vector<1x16xf32>
        tpu.vector_store %arg10[%swap3A_66, %swap3A_67], %swap3A_70 {strides = array<i32>} : memref<128x80xf32, #tpu.memory_space<vmem>>, vector<1x16xf32>,
        %add3A_71 = arith.addf %scan3A_50#4, %scan3A_50#5 : vector<16xf32>
        %swap3A_72 = arith.index_cast %mul3A_31 : i32 to index
        %swap3A_73 = arith.constant 64 : index
        %swap3A_74 = tpu.vector_load %arg10[%swap3A_72, %swap3A_73] {strides = array<i32>} : memref<128x80xf32, #tpu.memory_space<vmem>>, vector<1x16xf32>,
        %swap3A_75 = vector.shape_cast %swap3A_74 : vector<1x16xf32> to vector<16xf32>
        %swap3A_76 = vector.shape_cast %add3A_71 : vector<16xf32> to vector<1x16xf32>
        tpu.vector_store %arg10[%swap3A_72, %swap3A_73], %swap3A_76 {strides = array<i32>} : memref<128x80xf32, #tpu.memory_space<vmem>>, vector<1x16xf32>,
        %add3A_77 = arith.constant 2 : i32
        %add3A_78 = arith.addi %mul3A_31, %add3A_77 : i32
        %lt3A = arith.constant 128 : i32
        %lt3A_79 = arith.cmpi slt, %add3A_78, %lt3A : i32
        %convert_element_type3A = arith.extui %lt3A_79 : i1 to i32
        %cond3A = arith.constant 0 : i32
        %cond3A_80 = arith.cmpi ne, %convert_element_type3A, %cond3A : i32
        scf.if %cond3A_80 {
          %add3A_122 = arith.constant 2 : i32
          %add3A_123 = arith.addi %mul3A_31, %add3A_122 : i32
          %dma_start3A_124 = arith.constant 0 : i32
          %dma_start3A_125 = tpu.memref_slice %arg6[%add3A_123, %dma_start3A_124] : memref<128x100xi32, #tpu.memory_space<vmem>> -> memref<1x100xi32, #tpu.memory_space<vmem>>
          %dma_start3A_126 = tpu.memref_squeeze %dma_start3A_125 : memref<1x100xi32, #tpu.memory_space<vmem>> -> memref<100xi32, #tpu.memory_space<vmem>>
          %dma_start3A_127 = arith.constant 0 : i32
          %dma_start3A_128 = arith.constant 0 : i32
          %dma_start3A_129 = tpu.memref_slice %arg3[%dma_start3A_127, %dma_start3A_128] : memref<1000000x32xf32, #tpu.memory_space<hbm>> -> memref<1000000x32xf32, #tpu.memory_space<hbm>>
          tpu.enqueue_indirect_dma source(%dma_start3A_129 : memref<1000000x32xf32, #tpu.memory_space<hbm>>) target(%arg8 : memref<100x32xf32, #tpu.memory_space<vmem>>) offsets(%dma_start3A_126 : memref<100xi32, #tpu.memory_space<vmem>>) semaphore(%arg11 : memref<!tpu.dma_semaphore, #tpu.memory_space<semaphore_mem>>)
        } else {
        }
        %dma_wait3A_81 = arith.constant 0 : i32
        %dma_wait3A_82 = tpu.memref_slice %arg6[%add3A_33, %dma_wait3A_81] : memref<128x100xi32, #tpu.memory_space<vmem>> -> memref<1x100xi32, #tpu.memory_space<vmem>>
        %dma_wait3A_83 = tpu.memref_squeeze %dma_wait3A_82 : memref<1x100xi32, #tpu.memory_space<vmem>> -> memref<100xi32, #tpu.memory_space<vmem>>
        %dma_wait3A_84 = arith.constant 0 : i32
        %dma_wait3A_85 = arith.constant 0 : i32
        %dma_wait3A_86 = tpu.memref_slice %arg3[%dma_wait3A_84, %dma_wait3A_85] : memref<1000000x32xf32, #tpu.memory_space<hbm>> -> memref<1000000x32xf32, #tpu.memory_space<hbm>>
        tpu.wait_indirect_dma semaphore(%arg12 : memref<!tpu.dma_semaphore, #tpu.memory_space<semaphore_mem>>) src(%dma_wait3A_86 : memref<1000000x32xf32, #tpu.memory_space<hbm>>) dst(%arg9 : memref<100x32xf32, #tpu.memory_space<vmem>>)
        %broadcast_in_dim3A_87 = arith.constant 0.000000e+00 : f32
        %broadcast_in_dim3A_88 = vector.broadcast %broadcast_in_dim3A_87 : f32 to vector<16xf32>
        %scan3A_89 = arith.constant 0 : i32
        %scan3A_90 = arith.constant 100 : i32
        %scan3A_91 = arith.addi %scan3A_89, %scan3A_90 : i32
        %scan3A_92 = arith.constant 1 : i32
        %scan3A_93:6 = scf.for %scan3A_122 = %scan3A_89 to %scan3A_91 step %scan3A_92 iter_args(%scan3A_123 = %broadcast_in_dim3A_88, %scan3A_124 = %broadcast_in_dim3A_88, %scan3A_125 = %broadcast_in_dim3A_88, %scan3A_126 = %broadcast_in_dim3A_88, %scan3A_127 = %broadcast_in_dim3A_88, %scan3A_128 = %broadcast_in_dim3A_88) -> (vector<16xf32>, vector<16xf32>, vector<16xf32>, vector<16xf32>, vector<16xf32>, vector<16xf32>)  : i32 {
          %get3A = arith.index_cast %scan3A_122 : i32 to index
          %get3A_129 = arith.constant 0 : index
          %get3A_130 = tpu.vector_load %arg9[%get3A, %get3A_129] {strides = array<i32>} : memref<100x32xf32, #tpu.memory_space<vmem>>, vector<1x16xf32>,
          %get3A_131 = vector.shape_cast %get3A_130 : vector<1x16xf32> to vector<16xf32>
          %get3A_132 = arith.index_cast %scan3A_122 : i32 to index
          %get3A_133 = arith.constant 16 : index
          %get3A_134 = tpu.vector_load %arg9[%get3A_132, %get3A_133] {strides = array<i32>} : memref<100x32xf32, #tpu.memory_space<vmem>>, vector<1x16xf32>,
          %get3A_135 = vector.shape_cast %get3A_134 : vector<1x16xf32> to vector<16xf32>
          %get3A_136 = arith.index_cast %scan3A_122 : i32 to index
          %get3A_137 = arith.constant 0 : index
          %get3A_138 = tpu.vector_load %arg7[%get3A_136, %get3A_137] {strides = array<i32>} : memref<100x32xf32, #tpu.memory_space<vmem>>, vector<1x16xf32>,
          %get3A_139 = vector.shape_cast %get3A_138 : vector<1x16xf32> to vector<16xf32>
          %get3A_140 = arith.index_cast %scan3A_122 : i32 to index
          %get3A_141 = arith.constant 16 : index
          %get3A_142 = tpu.vector_load %arg7[%get3A_140, %get3A_141] {strides = array<i32>} : memref<100x32xf32, #tpu.memory_space<vmem>>, vector<1x16xf32>,
          %get3A_143 = vector.shape_cast %get3A_142 : vector<1x16xf32> to vector<16xf32>
          %add3A_144 = arith.addf %scan3A_123, %get3A_131 : vector<16xf32>
          %add3A_145 = arith.addf %scan3A_124, %get3A_135 : vector<16xf32>
          %mul3A_146 = arith.mulf %get3A_131, %get3A_131 : vector<16xf32>
          %add3A_147 = arith.addf %scan3A_125, %mul3A_146 : vector<16xf32>
          %mul3A_148 = arith.mulf %get3A_135, %get3A_135 : vector<16xf32>
          %add3A_149 = arith.addf %scan3A_126, %mul3A_148 : vector<16xf32>
          %mul3A_150 = arith.mulf %get3A_131, %get3A_139 : vector<16xf32>
          %add3A_151 = arith.addf %scan3A_127, %mul3A_150 : vector<16xf32>
          %mul3A_152 = arith.mulf %get3A_135, %get3A_143 : vector<16xf32>
          %add3A_153 = arith.addf %scan3A_128, %mul3A_152 : vector<16xf32>
          scf.yield %add3A_144, %add3A_145, %add3A_147, %add3A_149, %add3A_151, %add3A_153 : vector<16xf32>, vector<16xf32>, vector<16xf32>, vector<16xf32>, vector<16xf32>, vector<16xf32>
        }
        %scan3A_94 = arith.constant 100 : i32
        %swap3A_95 = arith.index_cast %add3A_33 : i32 to index
        %swap3A_96 = arith.constant 0 : index
        %swap3A_97 = tpu.vector_load %arg10[%swap3A_95, %swap3A_96] {strides = array<i32>} : memref<128x80xf32, #tpu.memory_space<vmem>>, vector<1x16xf32>,
        %swap3A_98 = vector.shape_cast %swap3A_97 : vector<1x16xf32> to vector<16xf32>
        %swap3A_99 = vector.shape_cast %scan3A_93#0 : vector<16xf32> to vector<1x16xf32>
        tpu.vector_store %arg10[%swap3A_95, %swap3A_96], %swap3A_99 {strides = array<i32>} : memref<128x80xf32, #tpu.memory_space<vmem>>, vector<1x16xf32>,
        %swap3A_100 = arith.index_cast %add3A_33 : i32 to index
        %swap3A_101 = arith.constant 16 : index
        %swap3A_102 = tpu.vector_load %arg10[%swap3A_100, %swap3A_101] {strides = array<i32>} : memref<128x80xf32, #tpu.memory_space<vmem>>, vector<1x16xf32>,
        %swap3A_103 = vector.shape_cast %swap3A_102 : vector<1x16xf32> to vector<16xf32>
        %swap3A_104 = vector.shape_cast %scan3A_93#1 : vector<16xf32> to vector<1x16xf32>
        tpu.vector_store %arg10[%swap3A_100, %swap3A_101], %swap3A_104 {strides = array<i32>} : memref<128x80xf32, #tpu.memory_space<vmem>>, vector<1x16xf32>,
        %swap3A_105 = arith.index_cast %add3A_33 : i32 to index
        %swap3A_106 = arith.constant 32 : index
        %swap3A_107 = tpu.vector_load %arg10[%swap3A_105, %swap3A_106] {strides = array<i32>} : memref<128x80xf32, #tpu.memory_space<vmem>>, vector<1x16xf32>,
        %swap3A_108 = vector.shape_cast %swap3A_107 : vector<1x16xf32> to vector<16xf32>
        %swap3A_109 = vector.shape_cast %scan3A_93#2 : vector<16xf32> to vector<1x16xf32>
        tpu.vector_store %arg10[%swap3A_105, %swap3A_106], %swap3A_109 {strides = array<i32>} : memref<128x80xf32, #tpu.memory_space<vmem>>, vector<1x16xf32>,
        %swap3A_110 = arith.index_cast %add3A_33 : i32 to index
        %swap3A_111 = arith.constant 48 : index
        %swap3A_112 = tpu.vector_load %arg10[%swap3A_110, %swap3A_111] {strides = array<i32>} : memref<128x80xf32, #tpu.memory_space<vmem>>, vector<1x16xf32>,
        %swap3A_113 = vector.shape_cast %swap3A_112 : vector<1x16xf32> to vector<16xf32>
        %swap3A_114 = vector.shape_cast %scan3A_93#3 : vector<16xf32> to vector<1x16xf32>
        tpu.vector_store %arg10[%swap3A_110, %swap3A_111], %swap3A_114 {strides = array<i32>} : memref<128x80xf32, #tpu.memory_space<vmem>>, vector<1x16xf32>,
        %add3A_115 = arith.addf %scan3A_93#4, %scan3A_93#5 : vector<16xf32>
        %swap3A_116 = arith.index_cast %add3A_33 : i32 to index
        %swap3A_117 = arith.constant 64 : index
        %swap3A_118 = tpu.vector_load %arg10[%swap3A_116, %swap3A_117] {strides = array<i32>} : memref<128x80xf32, #tpu.memory_space<vmem>>, vector<1x16xf32>,
        %swap3A_119 = vector.shape_cast %swap3A_118 : vector<1x16xf32> to vector<16xf32>
        %swap3A_120 = vector.shape_cast %add3A_115 : vector<16xf32> to vector<1x16xf32>
        tpu.vector_store %arg10[%swap3A_116, %swap3A_117], %swap3A_120 {strides = array<i32>} : memref<128x80xf32, #tpu.memory_space<vmem>>, vector<1x16xf32>,
        %scan3A_121 = arith.constant 0 : i32
        scf.yield %scan3A_121 : i32
      }
      %scan3A_26 = arith.constant 64 : i32
      "tpu.region"() ({
        %run_scoped3A = tpu.sem_alloc : memref<!tpu.dma_semaphore, #tpu.memory_space<semaphore_mem>>
        %dma_start3A_28 = arith.constant 0 : i32
        %dma_start3A_29 = tpu.memref_slice %arg5[%add3A_13, %dma_start3A_28] : memref<16384x80xf32, #tpu.memory_space<hbm>> -> memref<128x80xf32, #tpu.memory_space<hbm>>
        %dma_start3A_30 = arith.constant 0 : i32
        %dma_start3A_31 = tpu.memref_slice %arg5[%add3A_13, %dma_start3A_30] : memref<16384x80xf32, #tpu.memory_space<hbm>> -> memref<128x80xf32, #tpu.memory_space<hbm>>
        tpu.enqueue_dma source(%arg10 : memref<128x80xf32, #tpu.memory_space<vmem>>) target(%dma_start3A_31 : memref<128x80xf32, #tpu.memory_space<hbm>>) target_semaphore(%run_scoped3A : memref<!tpu.dma_semaphore, #tpu.memory_space<semaphore_mem>>)
        %dma_wait3A = arith.constant 0 : i32
        %dma_wait3A_32 = tpu.memref_slice %arg5[%add3A_13, %dma_wait3A] : memref<16384x80xf32, #tpu.memory_space<hbm>> -> memref<128x80xf32, #tpu.memory_space<hbm>>
        %dma_wait3A_33 = arith.constant 0 : i32
        %dma_wait3A_34 = tpu.memref_slice %arg5[%add3A_13, %dma_wait3A_33] : memref<16384x80xf32, #tpu.memory_space<hbm>> -> memref<128x80xf32, #tpu.memory_space<hbm>>
        tpu.wait_dma2 semaphore(%run_scoped3A : memref<!tpu.dma_semaphore, #tpu.memory_space<semaphore_mem>>) src(%arg10 : memref<128x80xf32, #tpu.memory_space<vmem>>) dst(%dma_wait3A_34 : memref<128x80xf32, #tpu.memory_space<hbm>>)
        tpu.yield
      }) : () -> ()
      %scan3A_27 = arith.constant 0 : i32
      scf.yield %scan3A_27 : i32
    }
    %scan3A_8 = arith.constant 4 : i32
    return
  }
}

module attributes {stable_mosaic.version = 14 : i64} {
  func.func @mk(%arg0: i32, %arg1: memref<2048x80xf32, #tpu.memory_space<vmem>>, %arg2: memref<32x16xf32, #tpu.memory_space<vmem>>, %arg3: memref<1x16xf32, #tpu.memory_space<vmem>>, %arg4: memref<16x8xf32, #tpu.memory_space<vmem>>, %arg5: memref<1x8xf32, #tpu.memory_space<vmem>>, %arg6: memref<1x8xf32, #tpu.memory_space<vmem>>, %arg7: memref<1x1xf32, #tpu.memory_space<vmem>>, %arg8: memref<2048x1xf32, #tpu.memory_space<vmem>>) attributes {dimension_semantics = [#tpu.dimension_semantics<arbitrary>], iteration_bounds = array<i64: 8>, scalar_prefetch = 0 : i64, scratch_operands = 0 : i64, tpu.core_type = #tpu.core_type<tc>, window_params = [{transform_indices = @transform_0, window_bounds = array<i64: 2048, 80>}, {pipeline_mode = #tpu.pipeline_mode<synchronous>, transform_indices = @transform_1, window_bounds = array<i64: 32, 16>}, {pipeline_mode = #tpu.pipeline_mode<synchronous>, transform_indices = @transform_2, window_bounds = array<i64: 1, 16>}, {pipeline_mode = #tpu.pipeline_mode<synchronous>, transform_indices = @transform_3, window_bounds = array<i64: 16, 8>}, {pipeline_mode = #tpu.pipeline_mode<synchronous>, transform_indices = @transform_4, window_bounds = array<i64: 1, 8>}, {pipeline_mode = #tpu.pipeline_mode<synchronous>, transform_indices = @transform_5, window_bounds = array<i64: 1, 8>}, {pipeline_mode = #tpu.pipeline_mode<synchronous>, transform_indices = @transform_6, window_bounds = array<i64: 1, 1>}, {transform_indices = @transform_7, window_bounds = array<i64: 2048, 1>}]} {
    %get3A = arith.constant 0 : index
    %get3A_0 = arith.constant 0 : index
    %get3A_1 = vector.load %arg1[%get3A, %get3A_0] : memref<2048x80xf32, #tpu.memory_space<vmem>>, vector<2048x80xf32>
    %slice3A = vector.extract_strided_slice %get3A_1 {offsets = [0, 0], sizes = [2048, 32], strides = [1, 1]} : vector<2048x80xf32> to vector<2048x32xf32>
    %slice3A_2 = vector.extract_strided_slice %get3A_1 {offsets = [0, 32], sizes = [2048, 32], strides = [1, 1]} : vector<2048x80xf32> to vector<2048x32xf32>
    %slice3A_3 = vector.extract_strided_slice %get3A_1 {offsets = [0, 64], sizes = [2048, 16], strides = [1, 1]} : vector<2048x80xf32> to vector<2048x16xf32>
    %mul3A = arith.mulf %slice3A, %slice3A : vector<2048x32xf32>
    %sub3A = arith.subf %mul3A, %slice3A_2 : vector<2048x32xf32>
    %mul3A_4 = arith.constant 5.000000e-01 : f32
    %mul3A_5 = vector.broadcast %mul3A_4 : f32 to vector<2048x32xf32>
    %mul3A_6 = arith.mulf %mul3A_5, %sub3A : vector<2048x32xf32>
    %get3A_7 = arith.constant 0 : index
    %get3A_8 = arith.constant 0 : index
    %get3A_9 = vector.load %arg2[%get3A_7, %get3A_8] : memref<32x16xf32, #tpu.memory_space<vmem>>, vector<32x16xf32>
    %dot_general3A = arith.constant dense<0.000000e+00> : vector<2048x16xf32>
    %dot_general3A_10 = tpu.matmul %mul3A_6, %get3A_9, %dot_general3A {dimension_numbers = #tpu.dot_dimension_numbers<[1], [0], [0], [1], [0, 0, 1, 1], [], []>, transpose_lhs_hint = false} : vector<2048x32xf32>, vector<32x16xf32>, vector<2048x16xf32> -> vector<2048x16xf32>
    %get3A_11 = arith.constant 0 : index
    %get3A_12 = arith.constant 0 : index
    %get3A_13 = vector.load %arg3[%get3A_11, %get3A_12] : memref<1x16xf32, #tpu.memory_space<vmem>>, vector<1x16xf32>
    %add3A = vector.broadcast %get3A_13 : vector<1x16xf32> to vector<2048x16xf32>
    %add3A_14 = arith.addf %dot_general3A_10, %add3A : vector<2048x16xf32>
    %max3A = arith.constant 0.000000e+00 : f32
    %max3A_15 = vector.broadcast %max3A : f32 to vector<2048x16xf32>
    %max3A_16 = arith.maximumf %add3A_14, %max3A_15 : vector<2048x16xf32>
    %get3A_17 = arith.constant 0 : index
    %get3A_18 = arith.constant 0 : index
    %get3A_19 = vector.load %arg4[%get3A_17, %get3A_18] : memref<16x8xf32, #tpu.memory_space<vmem>>, vector<16x8xf32>
    %dot_general3A_20 = arith.constant dense<0.000000e+00> : vector<2048x8xf32>
    %dot_general3A_21 = tpu.matmul %max3A_16, %get3A_19, %dot_general3A_20 {dimension_numbers = #tpu.dot_dimension_numbers<[1], [0], [0], [1], [0, 0, 1, 1], [], []>, transpose_lhs_hint = false} : vector<2048x16xf32>, vector<16x8xf32>, vector<2048x8xf32> -> vector<2048x8xf32>
    %get3A_22 = arith.constant 0 : index
    %get3A_23 = arith.constant 0 : index
    %get3A_24 = vector.load %arg5[%get3A_22, %get3A_23] : memref<1x8xf32, #tpu.memory_space<vmem>>, vector<1x8xf32>
    %add3A_25 = vector.broadcast %get3A_24 : vector<1x8xf32> to vector<2048x8xf32>
    %add3A_26 = arith.addf %dot_general3A_21, %add3A_25 : vector<2048x8xf32>
    %max3A_27 = arith.constant 0.000000e+00 : f32
    %max3A_28 = vector.broadcast %max3A_27 : f32 to vector<2048x8xf32>
    %max3A_29 = arith.maximumf %add3A_26, %max3A_28 : vector<2048x8xf32>
    %reduce_sum3A = arith.constant dense<0.000000e+00> : vector<2048xf32>
    %reduce_sum3A_30 = vector.multi_reduction <add>, %slice3A_3, %reduce_sum3A [1] : vector<2048x16xf32> to vector<2048xf32>
    %broadcast_in_dim3A = vector.shape_cast %reduce_sum3A_30 : vector<2048xf32> to vector<2048x1xf32>
    %get3A_31 = arith.constant 0 : index
    %get3A_32 = arith.constant 0 : index
    %get3A_33 = vector.load %arg6[%get3A_31, %get3A_32] : memref<1x8xf32, #tpu.memory_space<vmem>>, vector<1x8xf32>
    %mul3A_34 = vector.broadcast %get3A_33 : vector<1x8xf32> to vector<2048x8xf32>
    %mul3A_35 = arith.mulf %max3A_29, %mul3A_34 : vector<2048x8xf32>
    %reduce_sum3A_36 = arith.constant dense<0.000000e+00> : vector<2048xf32>
    %reduce_sum3A_37 = vector.multi_reduction <add>, %mul3A_35, %reduce_sum3A_36 [1] : vector<2048x8xf32> to vector<2048xf32>
    %broadcast_in_dim3A_38 = vector.shape_cast %reduce_sum3A_37 : vector<2048xf32> to vector<2048x1xf32>
    %add3A_39 = arith.addf %broadcast_in_dim3A_38, %broadcast_in_dim3A : vector<2048x1xf32>
    %get3A_40 = arith.constant 0 : index
    %get3A_41 = arith.constant 0 : index
    %get3A_42 = vector.load %arg7[%get3A_40, %get3A_41] : memref<1x1xf32, #tpu.memory_space<vmem>>, vector<1x1xf32>
    %add3A_43 = vector.broadcast %get3A_42 : vector<1x1xf32> to vector<2048x1xf32>
    %add3A_44 = arith.addf %add3A_39, %add3A_43 : vector<2048x1xf32>
    %neg3A = arith.constant 0.000000e+00 : f32
    %neg3A_45 = vector.broadcast %neg3A : f32 to vector<2048x1xf32>
    %neg3A_46 = arith.subf %neg3A_45, %add3A_44 : vector<2048x1xf32>
    %exp3A = math.exp %neg3A_46 : vector<2048x1xf32>
    %add3A_47 = arith.constant 1.000000e+00 : f32
    %add3A_48 = vector.broadcast %add3A_47 : f32 to vector<2048x1xf32>
    %add3A_49 = arith.addf %add3A_48, %exp3A : vector<2048x1xf32>
    %div3A = arith.constant 1.000000e+00 : f32
    %div3A_50 = vector.broadcast %div3A : f32 to vector<2048x1xf32>
    %div3A_51 = arith.divf %div3A_50, %add3A_49 : vector<2048x1xf32>
    %swap3A = arith.constant 0 : index
    %swap3A_52 = arith.constant 0 : index
    %swap3A_53 = vector.load %arg8[%swap3A, %swap3A_52] : memref<2048x1xf32, #tpu.memory_space<vmem>>, vector<2048x1xf32>
    tpu.vector_store %arg8[%swap3A, %swap3A_52], %div3A_51 {strides = array<i32>} : memref<2048x1xf32, #tpu.memory_space<vmem>>, vector<2048x1xf32>,
    return
  }
  func.func @transform_0(%arg0: i32) -> (i32, i32) {
    %c0_i32 = arith.constant 0 : i32
    %c0_i32_0 = arith.constant 0 : i32
    return %arg0, %c0_i32 : i32, i32
  }
  func.func @transform_1(%arg0: i32) -> (i32, i32) {
    %c0_i32 = arith.constant 0 : i32
    %c0_i32_0 = arith.constant 0 : i32
    %c0_i32_1 = arith.constant 0 : i32
    return %c0_i32, %c0_i32_0 : i32, i32
  }
  func.func @transform_2(%arg0: i32) -> (i32, i32) {
    %c0_i32 = arith.constant 0 : i32
    %c0_i32_0 = arith.constant 0 : i32
    %c0_i32_1 = arith.constant 0 : i32
    return %c0_i32, %c0_i32_0 : i32, i32
  }
  func.func @transform_3(%arg0: i32) -> (i32, i32) {
    %c0_i32 = arith.constant 0 : i32
    %c0_i32_0 = arith.constant 0 : i32
    %c0_i32_1 = arith.constant 0 : i32
    return %c0_i32, %c0_i32_0 : i32, i32
  }
  func.func @transform_4(%arg0: i32) -> (i32, i32) {
    %c0_i32 = arith.constant 0 : i32
    %c0_i32_0 = arith.constant 0 : i32
    %c0_i32_1 = arith.constant 0 : i32
    return %c0_i32, %c0_i32_0 : i32, i32
  }
  func.func @transform_5(%arg0: i32) -> (i32, i32) {
    %c0_i32 = arith.constant 0 : i32
    %c0_i32_0 = arith.constant 0 : i32
    %c0_i32_1 = arith.constant 0 : i32
    return %c0_i32, %c0_i32_0 : i32, i32
  }
  func.func @transform_6(%arg0: i32) -> (i32, i32) {
    %c0_i32 = arith.constant 0 : i32
    %c0_i32_0 = arith.constant 0 : i32
    %c0_i32_1 = arith.constant 0 : i32
    return %c0_i32, %c0_i32_0 : i32, i32
  }
  func.func @transform_7(%arg0: i32) -> (i32, i32) {
    %c0_i32 = arith.constant 0 : i32
    %c0_i32_0 = arith.constant 0 : i32
    return %arg0, %c0_i32 : i32, i32
  }
}

</mosaic_0001>

<sc_bundles>
// kernel: kernel.4.cloned.1.call-start
scs
__scs_entry_jumppad:
0x0: {  	(pc) =	sbr.rel $0x88, $3  }
0x1: {  	(tag) =	ssettag $0x0;
	lr =	simm.s32 $0x1  }
0x2: {  	[smem:$0x3F99] =	sst lr;
	_ =	strace $0xD0000000  }
0x3: {  	_ = 	snop  }
0x4: {  	_ = 	snop  }
0x5: {  	_ = 	snop  }
0x6: {  	_ = 	snop  }
0x7: {  	_ = 	snop  }
__scs_overlays_trampoline_lowered:
0x8: {  	[smem:$0x3FA8] =	sst s0  }
0x9: {  	[smem:$0x3FA9] =	sst s1  }
0xa: {  	[smem:$0x3FAA] =	sst s2  }
0xb: {  	[smem:$0x3FAB] =	sst s3  }
0xc: {  	[smem:$0x3FAC] =	sst s4  }
0xd: {  	[smem:$0x3FAD] =	sst s5  }
0xe: {  	[smem:$0x3FAE] =	sst s6  }
0xf: {  	[smem:$0x3FAF] =	sst s7  }
0x10: {  	[smem:$0x3FB0] =	sst s8  }
0x11: {  	[smem:$0x3FB1] =	sst s9;
	s0 =	simm.s32 @!p0 $0x0  }
0x12: {  	s1 =	sld [smem:$0x3F97];
	s0 =	simm.s32 @p0 $0x1  }
0x13: {  	[smem:$0x3FB2] =	sst s0;
	s0 =	simm.s32 @!p1 $0x0  }
0x14: {  	s2 =	sld [smem:$0x3F96];
	s0 =	simm.s32 @p1 $0x1  }
0x15: {  	[smem:$0x3FB3] =	sst s0;
	s0 =	simm.s32 @!p2 $0x0  }
0x16: {  	s3 =	sld [smem:$0x3FDB];
	s0 =	simm.s32 @p2 $0x1  }
0x17: {  	s4 =	simm.s32 $0x1BF5;
	[smem:$0x3FB5] =	sst s0  }
0x18: {  	s0 =	sld [smem:$0x3F98];
	_ =	swait.ge [sflag:s4], $0x0  }
0x19: {  	s7 =	sld [smem:$0x3F99]  }
0x1a: {  	s8 =	sadd.s32 $0xFFFFE003, lr  }
0x1b: {  	s9 =	sadd.s32 $0xFFFFFEF7, lr;
	s5 =	simm.s32 $0xFFFFFFFF;
	p2 =	slt.u32 s8, $0xFFFFF086  }
0x1c: {  	p1 =	slt.u32 s9, $0xF7A;
	s5 =	simm.s32 @!p2 $0x0  }
0x1d: {  	s5 =	simm.s32 @p1 $0x1;
	p0 =	seq.s32 s7, s2  }
0x1e: {  	s7 =	smul.u32 @!p0 $0xF7A, s2;
	p2 =	seq.s32 @!p0 s5, $0x0  }
0x1f: {  	s9 =	smul.u32 $0xF7A, s1;
	s8 =	simm.s32 @!p0 $0x1BF5;
	p2 =	por !p2, p0  }
0x20: {  	[sflag:s8] =	ssyncset.s32 @!p0 $0xFFFFF086;
	s6 =	sadd.s32 @!p0 s3, s7;
	s7 =	simm.s32 @!p0 $0x108  }
0x21: {  	s3 =	sadd.s32 s3, s9;
	s6 =	sadd.s32 @!p0 $0x88, s6;
	s7 =	simm.s32 @p2 $0x1082  }
0x22: {  	[simem:s7], [sflag:s8] =	dma.local @!p0 [hbm:s6], $0xF7A  }
0x23: {  	s9 =	sor.u32 $0xD0000000, s2;
	s6 =	simm.s32 $0x108;
	_ =	swait.ge @!p0 [sflag:s8], $0x0  }
0x24: {  	s3 =	sadd.s32 $0x88, s3;
	s6 =	simm.s32 @!p1 $0x1082;
	[sflag:s4] =	ssyncset.s32 $0xFFFFF086  }
0x25: {  	[simem:s6], [sflag:s4] =	dma.local [hbm:s3], $0xF7A  }
0x26: {  	[smem:$0x3F99] =	sst s1;
	(tag) =	ssettag s2;
	_ =	strace s9  }
0x27: {  	s1 =	sld [smem:$0x3FA9]  }
0x28: {  	s2 =	sld [smem:$0x3FAA]  }
0x29: {  	s4 =	sld [smem:$0x3FAC]  }
0x2a: {  	p0 =	seq.s32 s5, $0x0;
	s5 =	sld [smem:$0x3FAD]  }
0x2b: {  	s6 =	sld [smem:$0x3FAE]  }
0x2c: {  	s7 =	sld [smem:$0x3FAF]  }
0x2d: {  	s3 =	simm.s32 $0x108;
	s8 =	sld [smem:$0x3FB0]  }
0x2e: {  	s3 =	simm.s32 @!p0 $0x1082;
	s9 =	sld [smem:$0x3FB1]  }
0x2f: {  	lr =	sadd.s32 s0, s3;
	s0 =	sld [smem:$0x3FA8]  }
0x30: {  	s3 =	sld [smem:$0x3FAB]  }
0x31: {  	[smem:$0x3FB4] =	sst s10  }
0x32: {  	s10 =	sld [smem:$0x3FB2];
	_ =	sdelay $0x3  }
0x33: {  	p0 =	seq.s32 s10, $0x1;
	s10 =	sld [smem:$0x3FB4];
	_ =	sdelay $0x3  }
0x34: {  	[smem:$0x3FB4] =	sst s10  }
0x35: {  	s10 =	sld [smem:$0x3FB3];
	_ =	sdelay $0x3  }
0x36: {  	p1 =	seq.s32 s10, $0x1;
	s10 =	sld [smem:$0x3FB4];
	_ =	sdelay $0x3  }
0x37: {  	[smem:$0x3FB4] =	sst s10  }
0x38: {  	s10 =	sld [smem:$0x3FB5]  }
0x39: {  	_ = 	snop;
	(pc) =	sbr.ind lr, $3  }
0x3a: {  	_ = 	snop  }
0x3b: {  	_ = 	snop  }
0x3c: {  	p2 =	seq.s32 s10, $0x1;
	s10 =	sld [smem:$0x3FB4]  }
0x3d: {  	_ =	shalt  }
0x3e: {  	_ =	shalt  }
0x3f: {  	_ =	shalt  }
0x40: {  	_ =	shalt  }
0x41: {  	_ =	shalt  }
0x42: {  	_ =	shalt  }
0x43: {  	_ =	shalt  }
0x44: {  	_ =	shalt  }
0x45: {  	_ =	shalt  }
0x46: {  	_ =	shalt  }
0x47: {  	_ =	shalt  }
0x48: {  	_ =	shalt  }
0x49: {  	_ =	shalt  }
0x4a: {  	_ =	shalt  }
0x4b: {  	_ =	shalt  }
0x4c: {  	_ =	shalt  }
0x4d: {  	_ =	shalt  }
0x4e: {  	_ =	shalt  }
0x4f: {  	_ =	shalt  }
0x50: {  	_ =	shalt  }
0x51: {  	_ =	shalt  }
0x52: {  	_ =	shalt  }
0x53: {  	_ =	shalt  }
0x54: {  	_ =	shalt  }
0x55: {  	_ =	shalt  }
0x56: {  	_ =	shalt  }
0x57: {  	_ =	shalt  }
0x58: {  	_ =	shalt  }
0x59: {  	_ =	shalt  }
0x5a: {  	_ =	shalt  }
0x5b: {  	_ =	shalt  }
0x5c: {  	_ =	shalt  }
0x5d: {  	_ =	shalt  }
0x5e: {  	_ =	shalt  }
0x5f: {  	_ =	shalt  }
0x60: {  	_ =	shalt  }
0x61: {  	_ =	shalt  }
0x62: {  	_ =	shalt  }
0x63: {  	_ =	shalt  }
0x64: {  	_ =	shalt  }
0x65: {  	_ =	shalt  }
0x66: {  	_ =	shalt  }
0x67: {  	_ =	shalt  }
0x68: {  	_ =	shalt  }
0x69: {  	_ =	shalt  }
0x6a: {  	_ =	shalt  }
0x6b: {  	_ =	shalt  }
0x6c: {  	_ =	shalt  }
0x6d: {  	_ =	shalt  }
0x6e: {  	_ =	shalt  }
0x6f: {  	_ =	shalt  }
0x70: {  	_ =	shalt  }
0x71: {  	_ =	shalt  }
0x72: {  	_ =	shalt  }
0x73: {  	_ =	shalt  }
0x74: {  	_ =	shalt  }
0x75: {  	_ =	shalt  }
0x76: {  	_ =	shalt  }
0x77: {  	_ =	shalt  }
0x78: {  	_ =	shalt  }
0x79: {  	_ =	shalt  }
0x7a: {  	_ =	shalt  }
0x7b: {  	_ =	shalt  }
0x7c: {  	_ =	shalt  }
0x7d: {  	_ =	shalt  }
0x7e: {  	_ =	shalt  }
0x7f: {  	_ =	shalt  }
0x80: {  	_ =	shalt  }
0x81: {  	_ =	shalt  }
0x82: {  	_ =	shalt  }
0x83: {  	_ =	shalt  }
0x84: {  	_ =	shalt  }
0x85: {  	_ =	shalt  }
0x86: {  	_ =	shalt  }
0x87: {  	_ =	shalt  }
.Lfunc_end0:
.L_simem_size_0:
called_computation_lowered:
.L_overlay_start_0:
0x88: {  	s2 =	sld [smem:$0x3FD9]  }
0x89: {  	s3 =	sld [smem:$0x3FFE];
	_ =	sdelay $0x1  }
0x8a: {  	s1 =	srdreg.scid  }
0x8b: {  	s0 =	sand.u32 $0x1, s1  }
0x8c: {  	s17 =	sshll.u32 s0, $0xA;
	s2 =	sadd.s32 s3, s2  }
0x8d: {  	s2 =	sadd.s32 s2, s17  }
0x8e: {  	[smem:$0x3FC0] =	sst s2  }
0x8f: {  	_ = 	snop  }
0x90: {  	s2 =	sld [smem:$0x3FD0];
	(tm) =	ssettm $0x1  }
0x91: {  	s18 =	sld [smem:$0x3FFB];
	_ =	sdelay $0x3  }
0x92: {  	_ =	strace s18  }
0x93: {  	s3 =	sld [smem:$0x3FFC];
	_ =	sdelay $0x3  }
0x94: {  	_ =	strace s3  }
0x95: {  	s3 =	sld [smem:$0x3FFD];
	_ =	sdelay $0x3  }
0x96: {  	_ =	strace s3  }
0x97: {  	_ =	strace $0x8FFFFFFF  }
0x98: {  	s19 =	sld [smem:$0x3FDB];
	_ =	sdelay $0x1  }
0x99: {  	s4 =	simm.s32 $_scs_section_size  }
0x9a: {  	s5 =	simm.s32 $_size__tile_overlayer_lowered;
	s6 =	simm.s32 $_tile_overlayer_lowered  }
0x9b: {  	s22 =	simm.s32 $0x1BFF;
	s21 =	sshll.u32 s6, $0x1;
	s3 =	sadd.s32 s4, s19  }
0x9c: {  	s7 =	simm.s32 $0x0;
	s20 =	sshll.u32 s5, $0x1;
	s5 =	sadd.s32 s21, s3  }
0x9d: {  	[timem:s7], [sflag:s22] =	dma.local [hbm:s5], s20  }
0x9e: {  	_ =	swait.ge [sflag:s22], s20  }
0x9f: {  	s4 =	ssub.s32 $0x0, s20;
	[sflag:s22] =	ssyncset.done $0x0  }
0xa0: {  	[sflag:s22] =	ssyncadd.s32 s4;
	_ =	sdelay $0x1  }
0xa1: {  	s23 =	simm.s32 $0x1B8B  }
0xa2: {  	_ =	swait.ge [sflag:s23], $0x1  }
0xa3: {  	[sflag:s23] =	ssyncset.done $0x0  }
0xa4: {  	s25 =	simm.s32 $0x1B8E;
	s24 =	sld [smem:$0x3FFE];
	[sflag:s23] =	ssyncadd.s32 $0xFFFFFFFF  }
0xa5: {  	s26 =	simm.s32 $execute0_lowered;
	[smem:$0x3FD2] =	sst s25  }
0xa6: {  	s5 =	sshll.u32 s26, $0x1;
	_ =	strace $0x80000046;
	[dreg:$0x1] =	wrdreg $0xFFFFFFFF  }
0xa7: {  	s28 =	simm.s32 $_size_execute0_lowered;
	s3 =	sadd.s32 s3, s5;
	[dreg:$0x0] =	wrdreg $0x0  }
0xa8: {  	s5 =	sshll.u32 s28, $0x1;
	[dreg:$0x2] =	wrdreg s3  }
0xa9: {  	[dreg:$0x3] =	wrdreg s5  }
0xaa: {  	[dreg:$0x4] =	wrdreg $0xC0  }
0xab: {  	_ =	task [dreg:s7], $0x5FFFF  }
0xac: {  	[dreg:$0x1] =	wrdreg $0xFFFFFFFF  }
0xad: {  	[dreg:$0x0] =	wrdreg $0x60  }
0xae: {  	[dreg:$0x2] =	wrdreg s24  }
0xaf: {  	[dreg:$0x3] =	wrdreg s2  }
0xb0: {  	[dreg:$0x4] =	wrdreg $0x9  }
0xb1: {  	_ =	task.clear_ibuf [dreg:s7], $0x5FFFF;
	_ =	strace $0x90000046  }
0xb2: {  	s29 =	simm.s32 $0x9;
	_ =	strace $0x80000048  }
0xb3: {  	_ =	swait.ge [sflag:s29], $0x1  }
0xb4: {  	[sflag:s29] =	ssyncadd.s32 $0xFFFFFFFF  }
0xb5: {  	_ =	strace $0x90000048  }
0xb6: {  	_ =	sfence  }
0xb7: {  	s30 =	sld [smem:$0x0];
	_ =	sdelay $0x2  }
0xb8: {  	s31 =	sshll.u32 s1, $0xD;
	s1 =	sshrl.u32 s1, $0x2  }
0xb9: {  	s3 =	sand.u32 $0x4000, s31;
	s1 =	sadd.s32 s1, s30  }
0xba: {  	s0 =	sor.u32 s3, s0;
	s1 =	sshll.u32 s1, $0x11  }
0xbb: {  	s0 =	sor.u32 s1, s0  }
0xbc: {  	s0 =	sadd.s32 $0x8F2B, s0  }
0xbd: {  	[sflag:s0] =	ssyncadd.remote.s32 $0x1  }
0xbe: {  	_ =	sfence.sel $0xFFFF  }
0xbf: {  	[dreg:$0x0] =	wrdreg $0xFFFFFFFF;
	(pc) =	sbr.abs _section_cstart, $3  }
0xc0: {  	[dreg:$0x1] =	wrdreg $0xFFFFFFFF  }
0xc1: {  	_ =	task.clear_ibuf [dreg:s7], $0x2FFFF;
	_ =	strace $0x9FFFFFFF  }
0xc2: {  	(tm) =	ssettm $0x7FFFFFFF  }
0xc3: {  	_ =	shalt  }
tec
execute0_lowered:
.L_overlay_start_1:
0x0: {  	(tag) =	ssettag $0x1  }
0x1: {  	s6 =	rddreg [dreg:$0x0]  }
0x2: {  	s1 =	rddreg [dreg:$0x1]  }
0x3: {  	s0 =	rddreg [dreg:$0x2];
	s2 =	simm.s32 $0x0  }
0x4: {  	s3 =	srdreg.scid;
	s10 =	simm.s32 $0x3;
	s11 =	simm.s32 $0x64  }
0x5: {  	s12 =	simm.s32 $0x4080;
	s13 =	simm.s32 $0x4D00;
	s14 =	simm.s32 $0x1  }
0x6: {  	s15 =	simm.s32 $0x2;
	s16 =	simm.s32 $0x5980;
	s17 =	simm.s32 $0x0  }
0x7: {  	[smem:$0x7FF] =	sst s2;
	s7 =	sand.u32 $0x1, s3;
	s4 =	sadd.s32 $0xC00, s6  }
0x8: {  	s5 =	sadd.s32 $0xF43000, s6;
	s3 =	stileid.u32;
	s8 =	ssub.s32 $0x2, s7  }
0x9: {  	s6 =	sadd.s32 $0x34C00, s6;
	_ =	strace $0x80000047;
	s9 =	sshrl.u32 s8, $0x1  }
0xa: {  	s31 =	sshll.u32 s3, $0xA;
	s7 =	sshll.u32 s7, $0x9;
	s8 =	ssub.s32 s8, s9  }
0xb: {  	s7 =	sor.u32 s7, s31;
	s9 =	simm.s32 $0x3400;
	s8 =	smax.u32 s8, $0x1  }
.LBB2_1:
0xc: {  	[tilespmem:s9], [sflag:$0x3] =	stream.linear.gather [hbm4b:s1+s2], $0xC80, $0x38;
	[tilespmem:$0x8180] =	vst v63  }
0xd: {  	_ =	swait.ge [sflag:s10], $0xC80  }
0xe: {  	[sflag:s10] =	ssyncset.done $0x0  }
0xf: {  	s18 =	simm.s32 $0x0;
	[sflag:s10] =	ssyncadd.s32 $0xFFFFF380  }
.LBB2_2:
0x10: {  	s19 =	sshll.u32 s18, $0x7  }
0x11: {  	s19 =	sadd.s32 s7, s19  }
0x12: {  	s20 =	smul.u32 $0xD, s19;
	_ =	sdelay $0x1  }
0x13: {  	s21 =	sadd.s32 s4, s20;
	s20 =	simm.s32 $0x0  }
0x14: {  	[tilespmem:s20], [sflag:$0x3] =	stream.linear.gather [hbm4b:s21+s20], $0x3400, $0x38;
	[tilespmem:$0x8180] =	vst v63  }
0x15: {  	_ =	swait.ge [sflag:s10], $0x3400  }
0x16: {  	[sflag:s10] =	ssyncset.done $0x0  }
0x17: {  	[sflag:s10] =	ssyncadd.s32 $0xFFFFCC00  }
0x18: {  	[tilespmem:s12], [sflag:$0x1] =	stream.indirect.gather [hbm4b:s5+s11], $0x20, s20, s11, $0xb8;
	[tilespmem:$0x8180] =	vst v63  }
.LBB2_3:
0x19: {  	s21 =	sshllo.u32 s20, $0x1  }
0x1a: {  	s22 =	smul.u32 $0x1A0, s21;
	_ =	sdelay $0x1  }
0x1b: {  	s22 =	sshra.s32 s22, $0x2  }
0x1c: {  	[tilespmem:s13], [sflag:$0x2] =	stream.indirect.gather [hbm4b:s5+s11], $0x20, s22, s11, $0xb8;
	[tilespmem:$0x8180] =	vst v63  }
0x1d: {  	_ =	swait.ge [sflag:s14], $0xC80  }
0x1e: {  	[sflag:s14] =	ssyncset.done $0x0  }
0x1f: {  	s23 =	simm.s32 $0x0;
	[sflag:s14] =	ssyncadd.s32 $0xFFFFF380  }
0x20: {  	v1 =	vld [tilespmem:s23+$0x4090]  }
0x21: {  	v8 =	vld [tilespmem:s23+$0x3410]  }
0x22: {  	v3 =	vld [tilespmem:s23+$0x4080]  }
0x23: {  	v2 =	vimm.f32 $0.0e+00;
	v7 =	vimm.f32 $0.0e+00;
	v0 =	vimm.f32 $0.0e+00;
	v9 =	vld [tilespmem:s23+$0x3400]  }
0x24: {  	v6 =	vimm.f32 $0.0e+00;
	v4 =	vimm.f32 $0.0e+00;
	v5 =	vimm.f32 $0.0e+00;
	s22 =	simm.s32 $0x80  }
.LBB2_4:
0x25: {  	s23 =	sshra.s32 s22, $0x2;
	v2 =	vadd.f32 v1, v2;
	v10 =	vmul.f32 v1, v1;
	p0 =	sne.s32 s22, $0x3180  }
.Ltmp0:
0x26: {  	s22 =	sadd.s32 $0x80, s22;
	v11 =	vmul.f32 v8, v1;
	v1 =	vld [tilespmem:s23+$0x4090];
	(pc) =	sbr.rel @p0 .LBB2_4-.Ltmp0, $4  }
0x27: {  	v8 =	vld [tilespmem:s23+$0x3410];
	v7 =	vadd.f32 v3, v7;
	v12 =	vmul.f32 v3, v3;
	v0 =	vadd.f32 v10, v0  }
0x28: {  	v10 =	vmul.f32 v9, v3;
	v3 =	vld [tilespmem:s23+$0x4080];
	v6 =	vadd.f32 v11, v6  }
0x29: {  	v9 =	vld [tilespmem:s23+$0x3400];
	v4 =	vadd.f32 v12, v4  }
0x2a: {  	v5 =	vadd.f32 v10, v5  }
0x2b: {  	_ =	sdelay $0x1  }
0x2c: {  	s22 =	smul.u32 $0x280, s20;
	v2 =	vadd.f32 v1, v2;
	v8 =	vmul.f32 v8, v1;
	v1 =	vmul.f32 v1, v1  }
0x2d: {  	v7 =	vadd.f32 v3, v7;
	v10 =	vmul.f32 v3, v3;
	v3 =	vmul.f32 v9, v3  }
0x2e: {  	s22 =	sshra.s32 s22, $0x2;
	v6 =	vadd.f32 v8, v6  }
0x2f: {  	p0 =	seq.s32 s20, $0x3F;
	v0 =	vadd.f32 v1, v0;
	[tilespmem:s22+$0x5990] =	vst v2;
	v3 =	vadd.f32 v3, v5  }
0x30: {  	s23 =	smul.u32 @!p0 $0x340, s20;
	v4 =	vadd.f32 v10, v4;
	[tilespmem:s22+$0x5980] =	vst v7  }
0x31: {  	[tilespmem:s22+$0x59B0] =	vst v0;
	v1 =	vadd.f32 v6, v3  }
0x32: {  	s23 =	sshra.s32 @!p0 s23, $0x2;
	[tilespmem:s22+$0x59A0] =	vst v4  }
0x33: {  	s24 =	simm.s32 @!p0 $0x4080;
	[tilespmem:s22+$0x59C0] =	vst v1;
	s22 =	sadd.s32 @!p0 $0xD0, s23;
	s23 =	simm.s32 @!p0 $0x64  }
0x34: {  	[tilespmem:s24], [sflag:$0x1] =	stream.indirect.gather @!p0 [hbm4b:s5+s23], $0x20, s22, s23, $0xb8;
	[tilespmem:$0x8180] =	vst v63  }
0x35: {  	_ =	swait.ge [sflag:s15], $0xC80  }
0x36: {  	[sflag:s15] =	ssyncset.done $0x0  }
0x37: {  	s31 =	simm.s32 $0x0;
	[sflag:s15] =	ssyncadd.s32 $0xFFFFF380  }
0x38: {  	v1 =	vld [tilespmem:s31+$0x4D10]  }
0x39: {  	v8 =	vld [tilespmem:s31+$0x3410]  }
0x3a: {  	v3 =	vld [tilespmem:s31+$0x4D00]  }
0x3b: {  	v2 =	vimm.f32 $0.0e+00;
	v7 =	vimm.f32 $0.0e+00;
	v0 =	vimm.f32 $0.0e+00;
	v9 =	vld [tilespmem:s31+$0x3400]  }
0x3c: {  	v5 =	vimm.f32 $0.0e+00;
	v4 =	vimm.f32 $0.0e+00;
	v6 =	vimm.f32 $0.0e+00;
	s22 =	simm.s32 $0x80  }
.LBB2_6:
0x3d: {  	s23 =	sshra.s32 s22, $0x2;
	v2 =	vadd.f32 v1, v2;
	v10 =	vmul.f32 v1, v1;
	p0 =	sne.s32 s22, $0x3180  }
.Ltmp1:
0x3e: {  	s22 =	sadd.s32 $0x80, s22;
	v11 =	vmul.f32 v8, v1;
	v1 =	vld [tilespmem:s23+$0x4D10];
	(pc) =	sbr.rel @p0 .LBB2_6-.Ltmp1, $4  }
0x3f: {  	v8 =	vld [tilespmem:s23+$0x3410];
	v7 =	vadd.f32 v3, v7;
	v12 =	vmul.f32 v3, v3;
	v0 =	vadd.f32 v10, v0  }
0x40: {  	v10 =	vmul.f32 v9, v3;
	v3 =	vld [tilespmem:s23+$0x4D00];
	v6 =	vadd.f32 v11, v6  }
0x41: {  	v9 =	vld [tilespmem:s23+$0x3400];
	v4 =	vadd.f32 v12, v4  }
0x42: {  	v5 =	vadd.f32 v10, v5  }
0x43: {  	_ =	sdelay $0x1  }
0x44: {  	s21 =	smul.u32 $0x140, s21;
	v62 =	vmul.f32 v1, v1  }
0x45: {  	v2 =	vadd.f32 v1, v2;
	s20 =	sadd.s32 $0x1, s20;
	v8 =	vmul.f32 v8, v1;
	v61 =	vmul.f32 v9, v3  }
0x46: {  	p0 =	sne.s32 s20, $0x40;
	v7 =	vadd.f32 v3, v7;
	v10 =	vmul.f32 v3, v3;
	s21 =	sshra.s32 s21, $0x2;
	v0 =	vadd.f32 v62, v0  }
.Ltmp2:
0x47: {  	v6 =	vadd.f32 v8, v6;
	[tilespmem:s21+$0x5990] =	vst v2;
	v3 =	vadd.f32 v61, v5;
	(pc) =	sbr.rel @p0 .LBB2_3-.Ltmp2, $4  }
0x48: {  	v4 =	vadd.f32 v10, v4;
	[tilespmem:s21+$0x5980] =	vst v7  }
0x49: {  	[tilespmem:s21+$0x59B0] =	vst v0;
	v63 =	vadd.f32 v6, v3  }
0x4a: {  	[tilespmem:s21+$0x59A0] =	vst v4  }
0x4b: {  	[tilespmem:s21+$0x59C0] =	vst v63  }
0x4c: {  	s19 =	smul.u32 $0xA, s19;
	s18 =	sadd.s32 $0x1, s18  }
0x4d: {  	p0 =	sne.s32 s18, $0x4  }
.Ltmp3:
0x4e: {  	s19 =	sadd.s32 s6, s19;
	(pc) =	sbr.rel @p0 .LBB2_2-.Ltmp3, $4  }
0x4f: {  	[hbm4b:s19+s2] =	stream.linear.scatter [tilespmem:s16], [sflag:$0x3], $0x2800, $0x38;
	[tilespmem:$0x8180] =	vst v63  }
0x50: {  	_ =	swait.ge [sflag:s10], $0x2800  }
0x51: {  	[sflag:s10] =	ssyncset.done $0x0  }
0x52: {  	[sflag:s10] =	ssyncadd.s32 $0xFFFFD800  }
0x53: {  	s17 =	sadd.s32 $0x1, s17  }
0x54: {  	p0 =	sne.s32 s17, s8  }
.Ltmp4:
0x55: {  	_ = 	snop;
	(pc) =	sbr.rel @p0 .LBB2_1-.Ltmp4, $1  }
0x56: {  	_ =	sdelay $0x3  }
0x57: {  	_ =	sfence.sel $0x180000  }
0x58: {  	[bflag:$0x0] =	sbarrier.arrive $0xFFFF  }
0x59: {  	p0 =	sne.s32 s3, $0x0;
	_ =	strace $0x90000047  }
0x5a: {  	s0 =	sadd.s32 @!p0 $0x100000, s0;
	[bflag:$0x2] =	sbarrier.arrive $0xFFFF  }
0x5b: {  	[sflag:s0] =	ssyncadd.tile.s32 @!p0 $0x1;
	_ =	shalt  }
.Lfunc_end2:
_tile_overlayer_lowered:
.L_overlay_start_2:
0x5c: {  	(tag) =	ssettag $0x2  }
0x5d: {  	s0 =	rddreg [dreg:$0x0];
	s2 =	stileid.u32  }
0x5e: {  	s1 =	rddreg [dreg:$0x1];
	p0 =	sne.s32 s2, $0x0  }
0x5f: {  	s3 =	rddreg [dreg:$0x2];
	[bflag:$0x3] =	sbarrier.arrive $0xFFFF;
	s2 =	simm.s32 @!p0 $0x1C03  }
0x60: {  	[timem:s3], [sflag:s2] =	dma.local @!p0 [hbm:s0], s1  }
0x61: {  	s0 =	simm.s32 @!p0 $0x3  }
0x62: {  	_ =	swait.ge @!p0 [sflag:s0], s1  }
0x63: {  	s1 =	ssub.s32 @!p0 $0x0, s1;
	[sflag:s0] =	ssyncset.done @!p0 $0x0  }
0x64: {  	[sflag:s0] =	ssyncadd.s32 @!p0 s1  }
0x65: {  	[bflag:$0x3] =	sbarrier.arrive $0xFFFF  }
0x66: {  	_ =	shalt  }

</sc_bundles>
